<compile_context>
chip_gen: v7x
topology: tpu7x:2x2x1
jax: 0.10.2.dev20260603
libtpu: 0.0.44.dev20260713+nightly
codegen_flags: <defaults>
</compile_context>

<pallas_src>
import jax
import jax.numpy as jnp
from jax import lax
from jax.experimental import pallas as pl
from jax.experimental.pallas import tpu as pltpu
from jax.experimental.pallas import tpu_sc as plsc

K = 32
N_KEYS = 100000
N_PAD = 102400
KB = 2048
QB = 256
NQ = 1024
SEG = 128
NSEG = N_PAD // SEG
GATH = 48
BIG_IDX = 2**30
SC_CORES = 2
SC_SUBCORES = 16
RW = 32


def _dist_body(q_ref, k_ref, q2_ref, k2_ref, dist_ref, smin_ref):
    kb = pl.program_id(1)
    q = q_ref[:]
    k = k_ref[:]
    mm = lax.dot_general(q, k, (((1,), (1,)), ((), ())),
                         preferred_element_type=jnp.float32)
    q2 = q2_ref[:]
    k2 = k2_ref[:]
    d2 = q2 + k2 - 2.0 * mm
    dist = jnp.sqrt(jnp.maximum(d2, 1e-12))
    col = kb * KB + lax.broadcasted_iota(jnp.int32, (QB, KB), 1)
    dist = jnp.where(col < N_KEYS, dist, jnp.inf)
    dist3 = dist.reshape(QB, KB // SEG, SEG)
    dist_ref[:] = dist3
    smin_ref[:] = jnp.min(dist3, axis=2)[:, None, None, :]


def _segsel_body(smin_ref, seg_ref, wv_ref, sg_ref):
    wv_ref[:] = smin_ref[:]
    iota_n = lax.broadcasted_iota(jnp.int32, (QB, NSEG), 1)
    iota_g = lax.broadcasted_iota(jnp.int32, (QB, 128), 1)

    def ext(j, _):
        wv = wv_ref[:]
        m = jnp.min(wv, axis=1, keepdims=True)
        is_min = wv == m
        mi = jnp.min(jnp.where(is_min, iota_n, BIG_IDX), axis=1, keepdims=True)
        sg_ref[:] = jnp.where(iota_g == j, mi, sg_ref[:])
        wv_ref[:] = jnp.where(is_min & (iota_n == mi), jnp.inf, wv)
        return 0

    lax.fori_loop(0, GATH, ext, 0)
    seg_ref[:] = sg_ref[:]


def _sc_gather_body(dist2, segids, out_sv, seg_v, idx_v, cand_v, sem):
    wid = lax.axis_index("s") * SC_CORES + lax.axis_index("c")

    def do_row(rr, _):
        r = wid * RW + rr
        pltpu.sync_copy(segids.at[r], seg_v)

        def mk(kk, _):
            idx_v[pl.ds(kk * 16, 16)] = seg_v[pl.ds(kk * 16, 16)] + r * NSEG
            return 0

        lax.fori_loop(0, GATH // 16, mk, 0)
        pltpu.async_copy(dist2.at[idx_v], cand_v, sem).wait()
        pltpu.sync_copy(cand_v, out_sv.at[r])
        return 0

    lax.fori_loop(0, RW, do_row, 0)


def _sc_gather(dist2, segids):
    mesh = plsc.VectorSubcoreMesh(core_axis_name="c", subcore_axis_name="s",
                                  num_cores=SC_CORES, num_subcores=SC_SUBCORES)
    f = pl.kernel(
        _sc_gather_body,
        out_type=jax.ShapeDtypeStruct((NQ, GATH, SEG), jnp.float32),
        mesh=mesh,
        scratch_types=[
            pltpu.VMEM((128,), jnp.int32),
            pltpu.VMEM((GATH,), jnp.int32),
            pltpu.VMEM((GATH, SEG), jnp.float32),
            pltpu.SemaphoreType.DMA,
        ],
    )
    return f(dist2, segids)


def _extract_body(sv_ref, seg_ref, out_v_ref, out_i_ref, wv_ref, wi_ref):
    wv_ref[:] = sv_ref[:]
    seg = seg_ref[:, :GATH]
    gidx = (seg[:, :, None] * SEG
            + lax.broadcasted_iota(jnp.int32, (QB, GATH, SEG), 2))
    wi_ref[:] = gidx.reshape(QB, GATH * SEG)
    kiota = lax.broadcasted_iota(jnp.int32, (QB, K), 1)

    def ext(j, _):
        wv = wv_ref[:]
        wi = wi_ref[:]
        m = jnp.min(wv, axis=1, keepdims=True)
        is_min = wv == m
        mi = jnp.min(jnp.where(is_min, wi, BIG_IDX), axis=1, keepdims=True)
        out_v_ref[:] = jnp.where(kiota == j, m, out_v_ref[:])
        out_i_ref[:] = jnp.where(kiota == j, mi, out_i_ref[:])
        wv_ref[:] = jnp.where(is_min & (wi == mi), jnp.inf, wv)
        return 0

    lax.fori_loop(0, K, ext, 0)


@jax.jit
def kernel(queries, keys):
    keys_p = jnp.pad(keys, ((0, N_PAD - N_KEYS), (0, 0)))
    q2 = jnp.sum(queries * queries, axis=1, keepdims=True)
    k2 = jnp.sum(keys_p * keys_p, axis=1)[None, :]
    dist, smin = pl.pallas_call(
        _dist_body,
        grid=(NQ // QB, N_PAD // KB),
        in_specs=[
            pl.BlockSpec((QB, 128), lambda qb, kb: (qb, 0)),
            pl.BlockSpec((KB, 128), lambda qb, kb: (kb, 0)),
            pl.BlockSpec((QB, 1), lambda qb, kb: (qb, 0)),
            pl.BlockSpec((1, KB), lambda qb, kb: (0, kb)),
        ],
        out_specs=[
            pl.BlockSpec((QB, KB // SEG, SEG), lambda qb, kb: (qb, kb, 0)),
            pl.BlockSpec((QB, 1, 1, KB // SEG), lambda qb, kb: (qb, kb, 0, 0)),
        ],
        out_shape=[
            jax.ShapeDtypeStruct((NQ, NSEG, SEG), jnp.float32),
            jax.ShapeDtypeStruct((NQ, N_PAD // KB, 1, KB // SEG), jnp.float32),
        ],
        compiler_params=pltpu.CompilerParams(
            dimension_semantics=("parallel", "parallel"),
        ),
    )(queries, keys_p, q2, k2)
    smin = smin.reshape(NQ, NSEG)

    segids = pl.pallas_call(
        _segsel_body,
        grid=(NQ // QB,),
        in_specs=[pl.BlockSpec((QB, NSEG), lambda qb: (qb, 0))],
        out_specs=pl.BlockSpec((QB, 128), lambda qb: (qb, 0)),
        out_shape=jax.ShapeDtypeStruct((NQ, 128), jnp.int32),
        scratch_shapes=[
            pltpu.VMEM((QB, NSEG), jnp.float32),
            pltpu.VMEM((QB, 128), jnp.int32),
        ],
        compiler_params=pltpu.CompilerParams(
            dimension_semantics=("parallel",),
        ),
    )(smin)

    dist2 = dist.reshape(NQ * NSEG, SEG)
    sval = _sc_gather(dist2, segids).reshape(NQ, GATH * SEG)

    vals, idx = pl.pallas_call(
        _extract_body,
        grid=(NQ // QB,),
        in_specs=[
            pl.BlockSpec((QB, GATH * SEG), lambda qb: (qb, 0)),
            pl.BlockSpec((QB, 128), lambda qb: (qb, 0)),
        ],
        out_specs=[
            pl.BlockSpec((QB, K), lambda qb: (qb, 0)),
            pl.BlockSpec((QB, K), lambda qb: (qb, 0)),
        ],
        out_shape=[
            jax.ShapeDtypeStruct((NQ, K), jnp.float32),
            jax.ShapeDtypeStruct((NQ, K), jnp.int32),
        ],
        scratch_shapes=[
            pltpu.VMEM((QB, GATH * SEG), jnp.float32),
            pltpu.VMEM((QB, GATH * SEG), jnp.int32),
        ],
        compiler_params=pltpu.CompilerParams(
            dimension_semantics=("parallel",),
        ),
    )(sval, segids)
    return vals, idx

# --- scband reference (transcript-rebuilt; emitter-appended) ---
"""Pipeline reference for scband-mymodel-89421219103600 (READ-ONLY COPY).

The authoritative reference and input builder live on the scoring server;
editing this copy changes nothing except your own understanding.
"""

import jax, jax.numpy as jnp
import numpy as np

K_NEIGHBORS = 32

def setup_inputs(seed: int = 0) -> dict:
    key = jax.random.key(seed)
    kq, kk = jax.random.split(key)
    queries = jax.random.normal(kq, (1024, 128), dtype=jnp.float32)
    keys = jax.random.normal(kk, (100000, 128), dtype=jnp.float32)
    return {"queries": queries, "keys": keys}

def reference(queries, keys):
    # Pairwise euclidean distances via expansion: ||q-k||^2 = ||q||^2 + ||k||^2 - 2 q.k
    q2 = jnp.sum(queries * queries, axis=1, keepdims=True)  # [Q, 1]
    k2 = jnp.sum(keys * keys, axis=1)[None, :]               # [1, K]
    d2 = q2 + k2 - 2.0 * (queries @ keys.T)                  # [Q, K]
    dist = jnp.sqrt(jnp.maximum(d2, 1e-12))
    # nearest num_neighbors: top-k of negated distance
    neg_vals, idx = jax.lax.top_k(-dist, K_NEIGHBORS)
    vals = -neg_vals
    return vals, idx

if __name__ == "__main__":
    import jax
    _d = setup_inputs()
    print(jax.jit(kernel)(*tuple(_d.values())))

</pallas_src>

<mosaic_0001>
#map = affine_map<(d0, d1) -> (0, 0)>
#map1 = affine_map<(d0, d1) -> (0, 0, 0)>
module attributes {stable_mosaic.version = 14 : i64} {
  func.func @_sc_gather_body(%arg0: i32, %arg1: i32, %arg2: memref<819200x128xf32, #tpu.memory_space<hbm>>, %arg3: memref<1024x128xi32, #tpu.memory_space<hbm>>, %arg4: memref<1024x48x128xf32, #tpu.memory_space<hbm>>, %arg5: memref<128xi32, #tpu.memory_space<vmem>>, %arg6: memref<48xi32, #tpu.memory_space<vmem>>, %arg7: memref<48x128xf32, #tpu.memory_space<vmem>>, %arg8: memref<!tpu.dma_semaphore, #tpu.memory_space<semaphore_mem>>) attributes {dimension_semantics = [#tpu.dimension_semantics<core_parallel>, #tpu.dimension_semantics<subcore_parallel>], iteration_bounds = array<i64: 2, 16>, scalar_prefetch = 0 : i64, scratch_operands = 4 : i64, tpu.core_type = #tpu.core_type<sc_vector_subcore>, window_params = [{transform_indices = #map}, {transform_indices = #map}, {transform_indices = #map1}]} {
    %mul3A = arith.constant 2 : i32
    %mul3A_0 = arith.muli %arg1, %mul3A : i32
    %add3A = arith.addi %mul3A_0, %arg0 : i32
    %scan3A = arith.constant 0 : i32
    %scan3A_1 = arith.constant 0 : i32
    %scan3A_2 = arith.constant 32 : i32
    %scan3A_3 = arith.addi %scan3A_1, %scan3A_2 : i32
    %scan3A_4 = arith.constant 1 : i32
    %scan3A_5 = scf.for %scan3A_7 = %scan3A_1 to %scan3A_3 step %scan3A_4 iter_args(%scan3A_8 = %scan3A) -> (i32)  : i32 {
      %mul3A_9 = arith.constant 32 : i32
      %mul3A_10 = arith.muli %add3A, %mul3A_9 : i32
      %add3A_11 = arith.addi %mul3A_10, %scan3A_7 : i32
      "tpu.region"() ({
        %run_scoped3A = tpu.sem_alloc : memref<!tpu.dma_semaphore, #tpu.memory_space<semaphore_mem>>
        %dma_start3A_24 = arith.constant 0 : i32
        %dma_start3A_25 = tpu.memref_slice %arg3[%add3A_11, %dma_start3A_24] : memref<1024x128xi32, #tpu.memory_space<hbm>> -> memref<1x128xi32, #tpu.memory_space<hbm>>
        %dma_start3A_26 = tpu.memref_squeeze %dma_start3A_25 : memref<1x128xi32, #tpu.memory_space<hbm>> -> memref<128xi32, #tpu.memory_space<hbm>>
        %dma_start3A_27 = arith.constant 0 : i32
        %dma_start3A_28 = tpu.memref_slice %arg3[%add3A_11, %dma_start3A_27] : memref<1024x128xi32, #tpu.memory_space<hbm>> -> memref<1x128xi32, #tpu.memory_space<hbm>>
        %dma_start3A_29 = tpu.memref_squeeze %dma_start3A_28 : memref<1x128xi32, #tpu.memory_space<hbm>> -> memref<128xi32, #tpu.memory_space<hbm>>
        tpu.enqueue_dma source(%dma_start3A_29 : memref<128xi32, #tpu.memory_space<hbm>>) target(%arg5 : memref<128xi32, #tpu.memory_space<vmem>>) target_semaphore(%run_scoped3A : memref<!tpu.dma_semaphore, #tpu.memory_space<semaphore_mem>>)
        %dma_wait3A_30 = arith.constant 0 : i32
        %dma_wait3A_31 = tpu.memref_slice %arg3[%add3A_11, %dma_wait3A_30] : memref<1024x128xi32, #tpu.memory_space<hbm>> -> memref<1x128xi32, #tpu.memory_space<hbm>>
        %dma_wait3A_32 = tpu.memref_squeeze %dma_wait3A_31 : memref<1x128xi32, #tpu.memory_space<hbm>> -> memref<128xi32, #tpu.memory_space<hbm>>
        %dma_wait3A_33 = arith.constant 0 : i32
        %dma_wait3A_34 = tpu.memref_slice %arg3[%add3A_11, %dma_wait3A_33] : memref<1024x128xi32, #tpu.memory_space<hbm>> -> memref<1x128xi32, #tpu.memory_space<hbm>>
        %dma_wait3A_35 = tpu.memref_squeeze %dma_wait3A_34 : memref<1x128xi32, #tpu.memory_space<hbm>> -> memref<128xi32, #tpu.memory_space<hbm>>
        tpu.wait_dma2 semaphore(%run_scoped3A : memref<!tpu.dma_semaphore, #tpu.memory_space<semaphore_mem>>) src(%dma_wait3A_35 : memref<128xi32, #tpu.memory_space<hbm>>) dst(%arg5 : memref<128xi32, #tpu.memory_space<vmem>>)
        tpu.yield
      }) : () -> ()
      %scan3A_12 = arith.constant 0 : i32
      %scan3A_13 = arith.constant 0 : i32
      %scan3A_14 = arith.constant 3 : i32
      %scan3A_15 = arith.addi %scan3A_13, %scan3A_14 : i32
      %scan3A_16 = arith.constant 1 : i32
      %scan3A_17 = scf.for %scan3A_24 = %scan3A_13 to %scan3A_15 step %scan3A_16 iter_args(%scan3A_25 = %scan3A_12) -> (i32)  : i32 {
        %mul3A_26 = arith.constant 16 : i32
        %mul3A_27 = arith.muli %scan3A_24, %mul3A_26 : i32
        %get3A = arith.index_cast %mul3A_27 : i32 to index
        %get3A_28 = tpu.vector_load %arg5[%get3A] {strides = array<i32>} : memref<128xi32, #tpu.memory_space<vmem>>, vector<16xi32>,
        %get3A_29 = vector.shape_cast %get3A_28 : vector<16xi32> to vector<16xi32>
        %mul3A_30 = arith.constant 800 : i32
        %mul3A_31 = arith.muli %add3A_11, %mul3A_30 : i32
        %add3A_32 = vector.broadcast %mul3A_31 : i32 to vector<16xi32>
        %add3A_33 = arith.addi %get3A_29, %add3A_32 : vector<16xi32>
        %mul3A_34 = arith.constant 16 : i32
        %mul3A_35 = arith.muli %scan3A_24, %mul3A_34 : i32
        %swap3A = arith.index_cast %mul3A_35 : i32 to index
        %swap3A_36 = tpu.vector_load %arg6[%swap3A] {strides = array<i32>} : memref<48xi32, #tpu.memory_space<vmem>>, vector<16xi32>,
        %swap3A_37 = vector.shape_cast %swap3A_36 : vector<16xi32> to vector<16xi32>
        %swap3A_38 = vector.shape_cast %add3A_33 : vector<16xi32> to vector<16xi32>
        tpu.vector_store %arg6[%swap3A], %swap3A_38 {strides = array<i32>} : memref<48xi32, #tpu.memory_space<vmem>>, vector<16xi32>,
        %scan3A_39 = arith.constant 0 : i32
        scf.yield %scan3A_39 : i32
      }
      %scan3A_18 = arith.constant 3 : i32
      %dma_start3A = arith.constant 0 : i32
      %dma_start3A_19 = arith.constant 0 : i32
      %dma_start3A_20 = tpu.memref_slice %arg2[%dma_start3A, %dma_start3A_19] : memref<819200x128xf32, #tpu.memory_space<hbm>> -> memref<819200x128xf32, #tpu.memory_space<hbm>>
      tpu.enqueue_indirect_dma source(%dma_start3A_20 : memref<819200x128xf32, #tpu.memory_space<hbm>>) target(%arg7 : memref<48x128xf32, #tpu.memory_space<vmem>>) offsets(%arg6 : memref<48xi32, #tpu.memory_space<vmem>>) semaphore(%arg8 : memref<!tpu.dma_semaphore, #tpu.memory_space<semaphore_mem>>)
      %dma_wait3A = arith.constant 0 : i32
      %dma_wait3A_21 = arith.constant 0 : i32
      %dma_wait3A_22 = tpu.memref_slice %arg2[%dma_wait3A, %dma_wait3A_21] : memref<819200x128xf32, #tpu.memory_space<hbm>> -> memref<819200x128xf32, #tpu.memory_space<hbm>>
      tpu.wait_indirect_dma semaphore(%arg8 : memref<!tpu.dma_semaphore, #tpu.memory_space<semaphore_mem>>) src(%dma_wait3A_22 : memref<819200x128xf32, #tpu.memory_space<hbm>>) dst(%arg7 : memref<48x128xf32, #tpu.memory_space<vmem>>)
      "tpu.region"() ({
        %run_scoped3A = tpu.sem_alloc : memref<!tpu.dma_semaphore, #tpu.memory_space<semaphore_mem>>
        %dma_start3A_24 = arith.constant 0 : i32
        %dma_start3A_25 = arith.constant 0 : i32
        %dma_start3A_26 = tpu.memref_slice %arg4[%add3A_11, %dma_start3A_24, %dma_start3A_25] : memref<1024x48x128xf32, #tpu.memory_space<hbm>> -> memref<1x48x128xf32, #tpu.memory_space<hbm>>
        %dma_start3A_27 = tpu.memref_squeeze %dma_start3A_26 : memref<1x48x128xf32, #tpu.memory_space<hbm>> -> memref<48x128xf32, #tpu.memory_space<hbm>>
        %dma_start3A_28 = arith.constant 0 : i32
        %dma_start3A_29 = arith.constant 0 : i32
        %dma_start3A_30 = tpu.memref_slice %arg4[%add3A_11, %dma_start3A_28, %dma_start3A_29] : memref<1024x48x128xf32, #tpu.memory_space<hbm>> -> memref<1x48x128xf32, #tpu.memory_space<hbm>>
        %dma_start3A_31 = tpu.memref_squeeze %dma_start3A_30 : memref<1x48x128xf32, #tpu.memory_space<hbm>> -> memref<48x128xf32, #tpu.memory_space<hbm>>
        tpu.enqueue_dma source(%arg7 : memref<48x128xf32, #tpu.memory_space<vmem>>) target(%dma_start3A_31 : memref<48x128xf32, #tpu.memory_space<hbm>>) target_semaphore(%run_scoped3A : memref<!tpu.dma_semaphore, #tpu.memory_space<semaphore_mem>>)
        %dma_wait3A_32 = arith.constant 0 : i32
        %dma_wait3A_33 = arith.constant 0 : i32
        %dma_wait3A_34 = tpu.memref_slice %arg4[%add3A_11, %dma_wait3A_32, %dma_wait3A_33] : memref<1024x48x128xf32, #tpu.memory_space<hbm>> -> memref<1x48x128xf32, #tpu.memory_space<hbm>>
        %dma_wait3A_35 = tpu.memref_squeeze %dma_wait3A_34 : memref<1x48x128xf32, #tpu.memory_space<hbm>> -> memref<48x128xf32, #tpu.memory_space<hbm>>
        %dma_wait3A_36 = arith.constant 0 : i32
        %dma_wait3A_37 = arith.constant 0 : i32
        %dma_wait3A_38 = tpu.memref_slice %arg4[%add3A_11, %dma_wait3A_36, %dma_wait3A_37] : memref<1024x48x128xf32, #tpu.memory_space<hbm>> -> memref<1x48x128xf32, #tpu.memory_space<hbm>>
        %dma_wait3A_39 = tpu.memref_squeeze %dma_wait3A_38 : memref<1x48x128xf32, #tpu.memory_space<hbm>> -> memref<48x128xf32, #tpu.memory_space<hbm>>
        tpu.wait_dma2 semaphore(%run_scoped3A : memref<!tpu.dma_semaphore, #tpu.memory_space<semaphore_mem>>) src(%arg7 : memref<48x128xf32, #tpu.memory_space<vmem>>) dst(%dma_wait3A_39 : memref<48x128xf32, #tpu.memory_space<hbm>>)
        tpu.yield
      }) : () -> ()
      %scan3A_23 = arith.constant 0 : i32
      scf.yield %scan3A_23 : i32
    }
    %scan3A_6 = arith.constant 32 : i32
    return
  }
}

module attributes {stable_mosaic.version = 14 : i64} {
  func.func @_dist_body(%arg0: i32, %arg1: i32, %arg2: memref<256x128xf32, #tpu.memory_space<vmem>>, %arg3: memref<2048x128xf32, #tpu.memory_space<vmem>>, %arg4: memref<256x1xf32, #tpu.memory_space<vmem>>, %arg5: memref<1x2048xf32, #tpu.memory_space<vmem>>, %arg6: memref<256x16x128xf32, #tpu.memory_space<vmem>>, %arg7: memref<256x1x1x16xf32, #tpu.memory_space<vmem>>) attributes {dimension_semantics = [#tpu.dimension_semantics<parallel>, #tpu.dimension_semantics<parallel>], iteration_bounds = array<i64: 4, 50>, scalar_prefetch = 0 : i64, scratch_operands = 0 : i64, tpu.core_type = #tpu.core_type<tc>, window_params = [{transform_indices = @transform_0, window_bounds = array<i64: 256, 128>}, {transform_indices = @transform_1, window_bounds = array<i64: 2048, 128>}, {transform_indices = @transform_2, window_bounds = array<i64: 256, 1>}, {transform_indices = @transform_3, window_bounds = array<i64: 1, 2048>}, {transform_indices = @transform_4, window_bounds = array<i64: 256, 16, 128>}, {transform_indices = @transform_5, window_bounds = array<i64: 256, 1, 1, 16>}]} {
    %get3A = arith.constant 0 : index
    %get3A_0 = arith.constant 0 : index
    %get3A_1 = vector.load %arg2[%get3A, %get3A_0] : memref<256x128xf32, #tpu.memory_space<vmem>>, vector<256x128xf32>
    %get3A_2 = arith.constant 0 : index
    %get3A_3 = arith.constant 0 : index
    %get3A_4 = vector.load %arg3[%get3A_2, %get3A_3] : memref<2048x128xf32, #tpu.memory_space<vmem>>, vector<2048x128xf32>
    %dot_general3A = arith.constant dense<0.000000e+00> : vector<256x2048xf32>
    %dot_general3A_5 = tpu.matmul %get3A_1, %get3A_4, %dot_general3A {dimension_numbers = #tpu.dot_dimension_numbers<[1], [1], [0], [0], [0, 0, 1, 0], [], []>, transpose_lhs_hint = false} : vector<256x128xf32>, vector<2048x128xf32>, vector<256x2048xf32> -> vector<256x2048xf32>
    %get3A_6 = arith.constant 0 : index
    %get3A_7 = arith.constant 0 : index
    %get3A_8 = vector.load %arg4[%get3A_6, %get3A_7] : memref<256x1xf32, #tpu.memory_space<vmem>>, vector<256x1xf32>
    %get3A_9 = arith.constant 0 : index
    %get3A_10 = arith.constant 0 : index
    %get3A_11 = vector.load %arg5[%get3A_9, %get3A_10] : memref<1x2048xf32, #tpu.memory_space<vmem>>, vector<1x2048xf32>
    %add3A = vector.broadcast %get3A_8 : vector<256x1xf32> to vector<256x2048xf32>
    %add3A_12 = vector.broadcast %get3A_11 : vector<1x2048xf32> to vector<256x2048xf32>
    %add3A_13 = arith.addf %add3A, %add3A_12 : vector<256x2048xf32>
    %mul3A = arith.constant 2.000000e+00 : f32
    %mul3A_14 = vector.broadcast %mul3A : f32 to vector<256x2048xf32>
    %mul3A_15 = arith.mulf %mul3A_14, %dot_general3A_5 : vector<256x2048xf32>
    %sub3A = arith.subf %add3A_13, %mul3A_15 : vector<256x2048xf32>
    %max3A = arith.constant 9.99999996E-13 : f32
    %max3A_16 = vector.broadcast %max3A : f32 to vector<256x2048xf32>
    %max3A_17 = arith.maximumf %sub3A, %max3A_16 : vector<256x2048xf32>
    %sqrt3A = math.sqrt %max3A_17 : vector<256x2048xf32>
    %mul3A_18 = arith.constant 2048 : i32
    %mul3A_19 = arith.muli %arg1, %mul3A_18 : i32
    %iota3A = tpu.iota {dimensions = array<i32: 1>} : vector<256x2048xi32>
    %add3A_20 = vector.broadcast %mul3A_19 : i32 to vector<256x2048xi32>
    %add3A_21 = arith.addi %add3A_20, %iota3A : vector<256x2048xi32>
    %lt3A = arith.constant 100000 : i32
    %lt3A_22 = vector.broadcast %lt3A : i32 to vector<256x2048xi32>
    %lt3A_23 = arith.cmpi slt, %add3A_21, %lt3A_22 : vector<256x2048xi32>
    %jit3A = arith.constant 0x7F800000 : f32
    %broadcast_in_dim3A = vector.broadcast %jit3A : f32 to vector<256x2048xf32>
    %select_n3A = arith.select %lt3A_23, %sqrt3A, %broadcast_in_dim3A : vector<256x2048xi1>, vector<256x2048xf32>
    %reshape3A = vector.shape_cast %select_n3A : vector<256x2048xf32> to vector<256x16x128xf32>
    %swap3A = arith.constant 0 : index
    %swap3A_24 = arith.constant 0 : index
    %swap3A_25 = arith.constant 0 : index
    %swap3A_26 = vector.load %arg6[%swap3A, %swap3A_24, %swap3A_25] : memref<256x16x128xf32, #tpu.memory_space<vmem>>, vector<256x16x128xf32>
    tpu.vector_store %arg6[%swap3A, %swap3A_24, %swap3A_25], %reshape3A {strides = array<i32>} : memref<256x16x128xf32, #tpu.memory_space<vmem>>, vector<256x16x128xf32>,
    %reduce_min3A = arith.constant dense<0x7F800000> : vector<256x16xf32>
    %reduce_min3A_27 = vector.multi_reduction <minimumf>, %reshape3A, %reduce_min3A [2] : vector<256x16x128xf32> to vector<256x16xf32>
    %broadcast_in_dim3A_28 = vector.shape_cast %reduce_min3A_27 : vector<256x16xf32> to vector<256x1x1x16xf32>
    %swap3A_29 = arith.constant 0 : index
    %swap3A_30 = arith.constant 0 : index
    %swap3A_31 = arith.constant 0 : index
    %swap3A_32 = arith.constant 0 : index
    %swap3A_33 = vector.load %arg7[%swap3A_29, %swap3A_30, %swap3A_31, %swap3A_32] : memref<256x1x1x16xf32, #tpu.memory_space<vmem>>, vector<256x1x1x16xf32>
    tpu.vector_store %arg7[%swap3A_29, %swap3A_30, %swap3A_31, %swap3A_32], %broadcast_in_dim3A_28 {strides = array<i32>} : memref<256x1x1x16xf32, #tpu.memory_space<vmem>>, vector<256x1x1x16xf32>,
    return
  }
  func.func @transform_0(%arg0: i32, %arg1: i32) -> (i32, i32) {
    %c0_i32 = arith.constant 0 : i32
    %c0_i32_0 = arith.constant 0 : i32
    return %arg0, %c0_i32 : i32, i32
  }
  func.func @transform_1(%arg0: i32, %arg1: i32) -> (i32, i32) {
    %c0_i32 = arith.constant 0 : i32
    %c0_i32_0 = arith.constant 0 : i32
    return %arg1, %c0_i32 : i32, i32
  }
  func.func @transform_2(%arg0: i32, %arg1: i32) -> (i32, i32) {
    %c0_i32 = arith.constant 0 : i32
    %c0_i32_0 = arith.constant 0 : i32
    return %arg0, %c0_i32 : i32, i32
  }
  func.func @transform_3(%arg0: i32, %arg1: i32) -> (i32, i32) {
    %c0_i32 = arith.constant 0 : i32
    %c0_i32_0 = arith.constant 0 : i32
    return %c0_i32, %arg1 : i32, i32
  }
  func.func @transform_4(%arg0: i32, %arg1: i32) -> (i32, i32, i32) {
    %c0_i32 = arith.constant 0 : i32
    %c0_i32_0 = arith.constant 0 : i32
    return %arg0, %arg1, %c0_i32 : i32, i32, i32
  }
  func.func @transform_5(%arg0: i32, %arg1: i32) -> (i32, i32, i32, i32) {
    %c0_i32 = arith.constant 0 : i32
    %c0_i32_0 = arith.constant 0 : i32
    %c0_i32_1 = arith.constant 0 : i32
    return %arg0, %arg1, %c0_i32, %c0_i32_0 : i32, i32, i32, i32
  }
}

module attributes {stable_mosaic.version = 14 : i64} {
  func.func @_segsel_body(%arg0: i32, %arg1: memref<256x800xf32, #tpu.memory_space<vmem>>, %arg2: memref<256x128xi32, #tpu.memory_space<vmem>>, %arg3: memref<256x800xf32, #tpu.memory_space<vmem>>, %arg4: memref<256x128xi32, #tpu.memory_space<vmem>>) attributes {dimension_semantics = [#tpu.dimension_semantics<parallel>], iteration_bounds = array<i64: 4>, scalar_prefetch = 0 : i64, scratch_operands = 2 : i64, tpu.core_type = #tpu.core_type<tc>, window_params = [{transform_indices = @transform_0, window_bounds = array<i64: 256, 800>}, {transform_indices = @transform_1, window_bounds = array<i64: 256, 128>}]} {
    %get3A = arith.constant 0 : index
    %get3A_0 = arith.constant 0 : index
    %get3A_1 = vector.load %arg1[%get3A, %get3A_0] : memref<256x800xf32, #tpu.memory_space<vmem>>, vector<256x800xf32>
    %swap3A = arith.constant 0 : index
    %swap3A_2 = arith.constant 0 : index
    %swap3A_3 = vector.load %arg3[%swap3A, %swap3A_2] : memref<256x800xf32, #tpu.memory_space<vmem>>, vector<256x800xf32>
    tpu.vector_store %arg3[%swap3A, %swap3A_2], %get3A_1 {strides = array<i32>} : memref<256x800xf32, #tpu.memory_space<vmem>>, vector<256x800xf32>,
    %iota3A = tpu.iota {dimensions = array<i32: 1>} : vector<256x800xi32>
    %iota3A_4 = tpu.iota {dimensions = array<i32: 1>} : vector<256x128xi32>
    %scan3A = arith.constant 0 : i32
    %scan3A_5 = arith.constant 48 : i32
    %scan3A_6 = arith.addi %scan3A, %scan3A_5 : i32
    %scan3A_7 = arith.constant 1 : i32
    scf.for %scan3A_15 = %scan3A to %scan3A_6 step %scan3A_7  : i32 {
      %get3A_16 = arith.constant 0 : index
      %get3A_17 = arith.constant 0 : index
      %get3A_18 = vector.load %arg3[%get3A_16, %get3A_17] : memref<256x800xf32, #tpu.memory_space<vmem>>, vector<256x800xf32>
      %reduce_min3A = arith.constant dense<0x7F800000> : vector<256xf32>
      %reduce_min3A_19 = vector.multi_reduction <minimumf>, %get3A_18, %reduce_min3A [1] : vector<256x800xf32> to vector<256xf32>
      %broadcast_in_dim3A = vector.shape_cast %reduce_min3A_19 : vector<256xf32> to vector<256x1xf32>
      %eq3A = vector.broadcast %broadcast_in_dim3A : vector<256x1xf32> to vector<256x800xf32>
      %eq3A_20 = arith.cmpf oeq, %get3A_18, %eq3A : vector<256x800xf32>
      %jit3A = arith.constant 1073741824 : i32
      %broadcast_in_dim3A_21 = vector.broadcast %jit3A : i32 to vector<256x800xi32>
      %select_n3A = arith.select %eq3A_20, %iota3A, %broadcast_in_dim3A_21 : vector<256x800xi1>, vector<256x800xi32>
      %reduce_min3A_22 = arith.constant dense<2147483647> : vector<256xi32>
      %reduce_min3A_23 = vector.multi_reduction <minsi>, %select_n3A, %reduce_min3A_22 [1] : vector<256x800xi32> to vector<256xi32>
      %broadcast_in_dim3A_24 = vector.shape_cast %reduce_min3A_23 : vector<256xi32> to vector<256x1xi32>
      %eq3A_25 = vector.broadcast %scan3A_15 : i32 to vector<256x128xi32>
      %eq3A_26 = arith.cmpi eq, %iota3A_4, %eq3A_25 : vector<256x128xi32>
      %get3A_27 = arith.constant 0 : index
      %get3A_28 = arith.constant 0 : index
      %get3A_29 = vector.load %arg4[%get3A_27, %get3A_28] : memref<256x128xi32, #tpu.memory_space<vmem>>, vector<256x128xi32>
      %broadcast_in_dim3A_30 = vector.shape_cast %broadcast_in_dim3A_24 : vector<256x1xi32> to vector<256x1xi32>
      %broadcast_in_dim3A_31 = vector.broadcast %broadcast_in_dim3A_30 : vector<256x1xi32> to vector<256x128xi32>
      %select_n3A_32 = arith.select %eq3A_26, %broadcast_in_dim3A_31, %get3A_29 : vector<256x128xi1>, vector<256x128xi32>
      %swap3A_33 = arith.constant 0 : index
      %swap3A_34 = arith.constant 0 : index
      %swap3A_35 = vector.load %arg4[%swap3A_33, %swap3A_34] : memref<256x128xi32, #tpu.memory_space<vmem>>, vector<256x128xi32>
      tpu.vector_store %arg4[%swap3A_33, %swap3A_34], %select_n3A_32 {strides = array<i32>} : memref<256x128xi32, #tpu.memory_space<vmem>>, vector<256x128xi32>,
      %eq3A_36 = vector.broadcast %broadcast_in_dim3A_24 : vector<256x1xi32> to vector<256x800xi32>
      %eq3A_37 = arith.cmpi eq, %iota3A, %eq3A_36 : vector<256x800xi32>
      %and3A = arith.andi %eq3A_20, %eq3A_37 : vector<256x800xi1>
      %jit3A_38 = arith.constant 0x7F800000 : f32
      %broadcast_in_dim3A_39 = vector.broadcast %jit3A_38 : f32 to vector<256x800xf32>
      %select_n3A_40 = arith.select %and3A, %broadcast_in_dim3A_39, %get3A_18 : vector<256x800xi1>, vector<256x800xf32>
      %swap3A_41 = arith.constant 0 : index
      %swap3A_42 = arith.constant 0 : index
      %swap3A_43 = vector.load %arg3[%swap3A_41, %swap3A_42] : memref<256x800xf32, #tpu.memory_space<vmem>>, vector<256x800xf32>
      tpu.vector_store %arg3[%swap3A_41, %swap3A_42], %select_n3A_40 {strides = array<i32>} : memref<256x800xf32, #tpu.memory_space<vmem>>, vector<256x800xf32>,
    }
    %scan3A_8 = arith.constant 48 : i32
    %get3A_9 = arith.constant 0 : index
    %get3A_10 = arith.constant 0 : index
    %get3A_11 = vector.load %arg4[%get3A_9, %get3A_10] : memref<256x128xi32, #tpu.memory_space<vmem>>, vector<256x128xi32>
    %swap3A_12 = arith.constant 0 : index
    %swap3A_13 = arith.constant 0 : index
    %swap3A_14 = vector.load %arg2[%swap3A_12, %swap3A_13] : memref<256x128xi32, #tpu.memory_space<vmem>>, vector<256x128xi32>
    tpu.vector_store %arg2[%swap3A_12, %swap3A_13], %get3A_11 {strides = array<i32>} : memref<256x128xi32, #tpu.memory_space<vmem>>, vector<256x128xi32>,
    return
  }
  func.func @transform_0(%arg0: i32) -> (i32, i32) {
    %c0_i32 = arith.constant 0 : i32
    %c0_i32_0 = arith.constant 0 : i32
    return %arg0, %c0_i32 : i32, i32
  }
  func.func @transform_1(%arg0: i32) -> (i32, i32) {
    %c0_i32 = arith.constant 0 : i32
    %c0_i32_0 = arith.constant 0 : i32
    return %arg0, %c0_i32 : i32, i32
  }
}

module attributes {stable_mosaic.version = 14 : i64} {
  func.func @_extract_body(%arg0: i32, %arg1: memref<256x6144xf32, #tpu.memory_space<vmem>>, %arg2: memref<256x128xi32, #tpu.memory_space<vmem>>, %arg3: memref<256x32xf32, #tpu.memory_space<vmem>>, %arg4: memref<256x32xi32, #tpu.memory_space<vmem>>, %arg5: memref<256x6144xf32, #tpu.memory_space<vmem>>, %arg6: memref<256x6144xi32, #tpu.memory_space<vmem>>) attributes {dimension_semantics = [#tpu.dimension_semantics<parallel>], iteration_bounds = array<i64: 4>, scalar_prefetch = 0 : i64, scratch_operands = 2 : i64, tpu.core_type = #tpu.core_type<tc>, window_params = [{transform_indices = @transform_0, window_bounds = array<i64: 256, 6144>}, {transform_indices = @transform_1, window_bounds = array<i64: 256, 128>}, {transform_indices = @transform_2, window_bounds = array<i64: 256, 32>}, {transform_indices = @transform_3, window_bounds = array<i64: 256, 32>}]} {
    %get3A = arith.constant 0 : index
    %get3A_0 = arith.constant 0 : index
    %get3A_1 = vector.load %arg1[%get3A, %get3A_0] : memref<256x6144xf32, #tpu.memory_space<vmem>>, vector<256x6144xf32>
    %swap3A = arith.constant 0 : index
    %swap3A_2 = arith.constant 0 : index
    %swap3A_3 = vector.load %arg5[%swap3A, %swap3A_2] : memref<256x6144xf32, #tpu.memory_space<vmem>>, vector<256x6144xf32>
    tpu.vector_store %arg5[%swap3A, %swap3A_2], %get3A_1 {strides = array<i32>} : memref<256x6144xf32, #tpu.memory_space<vmem>>, vector<256x6144xf32>,
    %get3A_4 = arith.constant 0 : index
    %get3A_5 = arith.constant 0 : index
    %get3A_6 = vector.load %arg2[%get3A_4, %get3A_5] : memref<256x128xi32, #tpu.memory_space<vmem>>, vector<256x48xi32>
    %broadcast_in_dim3A = vector.shape_cast %get3A_6 : vector<256x48xi32> to vector<256x48x1xi32>
    %mul3A = arith.constant 128 : i32
    %mul3A_7 = vector.broadcast %mul3A : i32 to vector<256x48x1xi32>
    %mul3A_8 = arith.muli %broadcast_in_dim3A, %mul3A_7 : vector<256x48x1xi32>
    %iota3A = tpu.iota {dimensions = array<i32: 2>} : vector<256x48x128xi32>
    %add3A = vector.broadcast %mul3A_8 : vector<256x48x1xi32> to vector<256x48x128xi32>
    %add3A_9 = arith.addi %add3A, %iota3A : vector<256x48x128xi32>
    %reshape3A = vector.shape_cast %add3A_9 : vector<256x48x128xi32> to vector<256x6144xi32>
    %swap3A_10 = arith.constant 0 : index
    %swap3A_11 = arith.constant 0 : index
    %swap3A_12 = vector.load %arg6[%swap3A_10, %swap3A_11] : memref<256x6144xi32, #tpu.memory_space<vmem>>, vector<256x6144xi32>
    tpu.vector_store %arg6[%swap3A_10, %swap3A_11], %reshape3A {strides = array<i32>} : memref<256x6144xi32, #tpu.memory_space<vmem>>, vector<256x6144xi32>,
    %iota3A_13 = tpu.iota {dimensions = array<i32: 1>} : vector<256x32xi32>
    %scan3A = arith.constant 0 : i32
    %scan3A_14 = arith.constant 32 : i32
    %scan3A_15 = arith.addi %scan3A, %scan3A_14 : i32
    %scan3A_16 = arith.constant 1 : i32
    scf.for %scan3A_18 = %scan3A to %scan3A_15 step %scan3A_16  : i32 {
      %get3A_19 = arith.constant 0 : index
      %get3A_20 = arith.constant 0 : index
      %get3A_21 = vector.load %arg5[%get3A_19, %get3A_20] : memref<256x6144xf32, #tpu.memory_space<vmem>>, vector<256x6144xf32>
      %get3A_22 = arith.constant 0 : index
      %get3A_23 = arith.constant 0 : index
      %get3A_24 = vector.load %arg6[%get3A_22, %get3A_23] : memref<256x6144xi32, #tpu.memory_space<vmem>>, vector<256x6144xi32>
      %reduce_min3A = arith.constant dense<0x7F800000> : vector<256xf32>
      %reduce_min3A_25 = vector.multi_reduction <minimumf>, %get3A_21, %reduce_min3A [1] : vector<256x6144xf32> to vector<256xf32>
      %broadcast_in_dim3A_26 = vector.shape_cast %reduce_min3A_25 : vector<256xf32> to vector<256x1xf32>
      %eq3A = vector.broadcast %broadcast_in_dim3A_26 : vector<256x1xf32> to vector<256x6144xf32>
      %eq3A_27 = arith.cmpf oeq, %get3A_21, %eq3A : vector<256x6144xf32>
      %jit3A = arith.constant 1073741824 : i32
      %broadcast_in_dim3A_28 = vector.broadcast %jit3A : i32 to vector<256x6144xi32>
      %select_n3A = arith.select %eq3A_27, %get3A_24, %broadcast_in_dim3A_28 : vector<256x6144xi1>, vector<256x6144xi32>
      %reduce_min3A_29 = arith.constant dense<2147483647> : vector<256xi32>
      %reduce_min3A_30 = vector.multi_reduction <minsi>, %select_n3A, %reduce_min3A_29 [1] : vector<256x6144xi32> to vector<256xi32>
      %broadcast_in_dim3A_31 = vector.shape_cast %reduce_min3A_30 : vector<256xi32> to vector<256x1xi32>
      %eq3A_32 = vector.broadcast %scan3A_18 : i32 to vector<256x32xi32>
      %eq3A_33 = arith.cmpi eq, %iota3A_13, %eq3A_32 : vector<256x32xi32>
      %get3A_34 = arith.constant 0 : index
      %get3A_35 = arith.constant 0 : index
      %get3A_36 = vector.load %arg3[%get3A_34, %get3A_35] : memref<256x32xf32, #tpu.memory_space<vmem>>, vector<256x32xf32>
      %broadcast_in_dim3A_37 = vector.shape_cast %broadcast_in_dim3A_26 : vector<256x1xf32> to vector<256x1xf32>
      %broadcast_in_dim3A_38 = vector.broadcast %broadcast_in_dim3A_37 : vector<256x1xf32> to vector<256x32xf32>
      %select_n3A_39 = arith.select %eq3A_33, %broadcast_in_dim3A_38, %get3A_36 : vector<256x32xi1>, vector<256x32xf32>
      %swap3A_40 = arith.constant 0 : index
      %swap3A_41 = arith.constant 0 : index
      %swap3A_42 = vector.load %arg3[%swap3A_40, %swap3A_41] : memref<256x32xf32, #tpu.memory_space<vmem>>, vector<256x32xf32>
      tpu.vector_store %arg3[%swap3A_40, %swap3A_41], %select_n3A_39 {strides = array<i32>} : memref<256x32xf32, #tpu.memory_space<vmem>>, vector<256x32xf32>,
      %eq3A_43 = vector.broadcast %scan3A_18 : i32 to vector<256x32xi32>
      %eq3A_44 = arith.cmpi eq, %iota3A_13, %eq3A_43 : vector<256x32xi32>
      %get3A_45 = arith.constant 0 : index
      %get3A_46 = arith.constant 0 : index
      %get3A_47 = vector.load %arg4[%get3A_45, %get3A_46] : memref<256x32xi32, #tpu.memory_space<vmem>>, vector<256x32xi32>
      %broadcast_in_dim3A_48 = vector.shape_cast %broadcast_in_dim3A_31 : vector<256x1xi32> to vector<256x1xi32>
      %broadcast_in_dim3A_49 = vector.broadcast %broadcast_in_dim3A_48 : vector<256x1xi32> to vector<256x32xi32>
      %select_n3A_50 = arith.select %eq3A_44, %broadcast_in_dim3A_49, %get3A_47 : vector<256x32xi1>, vector<256x32xi32>
      %swap3A_51 = arith.constant 0 : index
      %swap3A_52 = arith.constant 0 : index
      %swap3A_53 = vector.load %arg4[%swap3A_51, %swap3A_52] : memref<256x32xi32, #tpu.memory_space<vmem>>, vector<256x32xi32>
      tpu.vector_store %arg4[%swap3A_51, %swap3A_52], %select_n3A_50 {strides = array<i32>} : memref<256x32xi32, #tpu.memory_space<vmem>>, vector<256x32xi32>,
      %eq3A_54 = vector.broadcast %broadcast_in_dim3A_31 : vector<256x1xi32> to vector<256x6144xi32>
      %eq3A_55 = arith.cmpi eq, %get3A_24, %eq3A_54 : vector<256x6144xi32>
      %and3A = arith.andi %eq3A_27, %eq3A_55 : vector<256x6144xi1>
      %jit3A_56 = arith.constant 0x7F800000 : f32
      %broadcast_in_dim3A_57 = vector.broadcast %jit3A_56 : f32 to vector<256x6144xf32>
      %select_n3A_58 = arith.select %and3A, %broadcast_in_dim3A_57, %get3A_21 : vector<256x6144xi1>, vector<256x6144xf32>
      %swap3A_59 = arith.constant 0 : index
      %swap3A_60 = arith.constant 0 : index
      %swap3A_61 = vector.load %arg5[%swap3A_59, %swap3A_60] : memref<256x6144xf32, #tpu.memory_space<vmem>>, vector<256x6144xf32>
      tpu.vector_store %arg5[%swap3A_59, %swap3A_60], %select_n3A_58 {strides = array<i32>} : memref<256x6144xf32, #tpu.memory_space<vmem>>, vector<256x6144xf32>,
    }
    %scan3A_17 = arith.constant 32 : i32
    return
  }
  func.func @transform_0(%arg0: i32) -> (i32, i32) {
    %c0_i32 = arith.constant 0 : i32
    %c0_i32_0 = arith.constant 0 : i32
    return %arg0, %c0_i32 : i32, i32
  }
  func.func @transform_1(%arg0: i32) -> (i32, i32) {
    %c0_i32 = arith.constant 0 : i32
    %c0_i32_0 = arith.constant 0 : i32
    return %arg0, %c0_i32 : i32, i32
  }
  func.func @transform_2(%arg0: i32) -> (i32, i32) {
    %c0_i32 = arith.constant 0 : i32
    %c0_i32_0 = arith.constant 0 : i32
    return %arg0, %c0_i32 : i32, i32
  }
  func.func @transform_3(%arg0: i32) -> (i32, i32) {
    %c0_i32 = arith.constant 0 : i32
    %c0_i32_0 = arith.constant 0 : i32
    return %arg0, %c0_i32 : i32, i32
  }
}

</mosaic_0001>

<sc_bundles>
// kernel: kernel.6.cloned.1.call-start
scs
__scs_entry_jumppad:
0x0: {  	(pc) =	sbr.rel $0x88, $3  }
0x1: {  	(tag) =	ssettag $0x0;
	lr =	simm.s32 $0x1  }
0x2: {  	[smem:$0x3F9F] =	sst lr;
	_ =	strace $0xD0000000  }
0x3: {  	_ = 	snop  }
0x4: {  	_ = 	snop  }
0x5: {  	_ = 	snop  }
0x6: {  	_ = 	snop  }
0x7: {  	_ = 	snop  }
__scs_overlays_trampoline_lowered:
0x8: {  	[smem:$0x3FAE] =	sst s0  }
0x9: {  	[smem:$0x3FAF] =	sst s1  }
0xa: {  	[smem:$0x3FB0] =	sst s2  }
0xb: {  	[smem:$0x3FB1] =	sst s3  }
0xc: {  	[smem:$0x3FB2] =	sst s4  }
0xd: {  	[smem:$0x3FB3] =	sst s5  }
0xe: {  	[smem:$0x3FB4] =	sst s6  }
0xf: {  	[smem:$0x3FB5] =	sst s7  }
0x10: {  	[smem:$0x3FB6] =	sst s8  }
0x11: {  	[smem:$0x3FB7] =	sst s9;
	s0 =	simm.s32 @!p0 $0x0  }
0x12: {  	s1 =	sld [smem:$0x3F9D];
	s0 =	simm.s32 @p0 $0x1  }
0x13: {  	[smem:$0x3FB8] =	sst s0;
	s0 =	simm.s32 @!p1 $0x0  }
0x14: {  	s2 =	sld [smem:$0x3F9C];
	s0 =	simm.s32 @p1 $0x1  }
0x15: {  	[smem:$0x3FB9] =	sst s0;
	s0 =	simm.s32 @!p2 $0x0  }
0x16: {  	s3 =	sld [smem:$0x3FDB];
	s0 =	simm.s32 @p2 $0x1  }
0x17: {  	s4 =	simm.s32 $0x1BF5;
	[smem:$0x3FBB] =	sst s0  }
0x18: {  	s0 =	sld [smem:$0x3F9E];
	_ =	swait.ge [sflag:s4], $0x0  }
0x19: {  	s7 =	sld [smem:$0x3F9F]  }
0x1a: {  	s8 =	sadd.s32 $0xFFFFE003, lr  }
0x1b: {  	s9 =	sadd.s32 $0xFFFFFEF7, lr;
	s5 =	simm.s32 $0xFFFFFFFF;
	p2 =	slt.u32 s8, $0xFFFFF086  }
0x1c: {  	p1 =	slt.u32 s9, $0xF7A;
	s5 =	simm.s32 @!p2 $0x0  }
0x1d: {  	s5 =	simm.s32 @p1 $0x1;
	p0 =	seq.s32 s7, s2  }
0x1e: {  	s7 =	smul.u32 @!p0 $0xF7A, s2;
	p2 =	seq.s32 @!p0 s5, $0x0  }
0x1f: {  	s9 =	smul.u32 $0xF7A, s1;
	s8 =	simm.s32 @!p0 $0x1BF5;
	p2 =	por !p2, p0  }
0x20: {  	[sflag:s8] =	ssyncset.s32 @!p0 $0xFFFFF086;
	s6 =	sadd.s32 @!p0 s3, s7;
	s7 =	simm.s32 @!p0 $0x108  }
0x21: {  	s3 =	sadd.s32 s3, s9;
	s6 =	sadd.s32 @!p0 $0x88, s6;
	s7 =	simm.s32 @p2 $0x1082  }
0x22: {  	[simem:s7], [sflag:s8] =	dma.local @!p0 [hbm:s6], $0xF7A  }
0x23: {  	s9 =	sor.u32 $0xD0000000, s2;
	s6 =	simm.s32 $0x108;
	_ =	swait.ge @!p0 [sflag:s8], $0x0  }
0x24: {  	s3 =	sadd.s32 $0x88, s3;
	s6 =	simm.s32 @!p1 $0x1082;
	[sflag:s4] =	ssyncset.s32 $0xFFFFF086  }
0x25: {  	[simem:s6], [sflag:s4] =	dma.local [hbm:s3], $0xF7A  }
0x26: {  	[smem:$0x3F9F] =	sst s1;
	(tag) =	ssettag s2;
	_ =	strace s9  }
0x27: {  	s1 =	sld [smem:$0x3FAF]  }
0x28: {  	s2 =	sld [smem:$0x3FB0]  }
0x29: {  	s4 =	sld [smem:$0x3FB2]  }
0x2a: {  	p0 =	seq.s32 s5, $0x0;
	s5 =	sld [smem:$0x3FB3]  }
0x2b: {  	s6 =	sld [smem:$0x3FB4]  }
0x2c: {  	s7 =	sld [smem:$0x3FB5]  }
0x2d: {  	s3 =	simm.s32 $0x108;
	s8 =	sld [smem:$0x3FB6]  }
0x2e: {  	s3 =	simm.s32 @!p0 $0x1082;
	s9 =	sld [smem:$0x3FB7]  }
0x2f: {  	lr =	sadd.s32 s0, s3;
	s0 =	sld [smem:$0x3FAE]  }
0x30: {  	s3 =	sld [smem:$0x3FB1]  }
0x31: {  	[smem:$0x3FBA] =	sst s10  }
0x32: {  	s10 =	sld [smem:$0x3FB8];
	_ =	sdelay $0x3  }
0x33: {  	p0 =	seq.s32 s10, $0x1;
	s10 =	sld [smem:$0x3FBA];
	_ =	sdelay $0x3  }
0x34: {  	[smem:$0x3FBA] =	sst s10  }
0x35: {  	s10 =	sld [smem:$0x3FB9];
	_ =	sdelay $0x3  }
0x36: {  	p1 =	seq.s32 s10, $0x1;
	s10 =	sld [smem:$0x3FBA];
	_ =	sdelay $0x3  }
0x37: {  	[smem:$0x3FBA] =	sst s10  }
0x38: {  	s10 =	sld [smem:$0x3FBB]  }
0x39: {  	_ = 	snop;
	(pc) =	sbr.ind lr, $3  }
0x3a: {  	_ = 	snop  }
0x3b: {  	_ = 	snop  }
0x3c: {  	p2 =	seq.s32 s10, $0x1;
	s10 =	sld [smem:$0x3FBA]  }
0x3d: {  	_ =	shalt  }
0x3e: {  	_ =	shalt  }
0x3f: {  	_ =	shalt  }
0x40: {  	_ =	shalt  }
0x41: {  	_ =	shalt  }
0x42: {  	_ =	shalt  }
0x43: {  	_ =	shalt  }
0x44: {  	_ =	shalt  }
0x45: {  	_ =	shalt  }
0x46: {  	_ =	shalt  }
0x47: {  	_ =	shalt  }
0x48: {  	_ =	shalt  }
0x49: {  	_ =	shalt  }
0x4a: {  	_ =	shalt  }
0x4b: {  	_ =	shalt  }
0x4c: {  	_ =	shalt  }
0x4d: {  	_ =	shalt  }
0x4e: {  	_ =	shalt  }
0x4f: {  	_ =	shalt  }
0x50: {  	_ =	shalt  }
0x51: {  	_ =	shalt  }
0x52: {  	_ =	shalt  }
0x53: {  	_ =	shalt  }
0x54: {  	_ =	shalt  }
0x55: {  	_ =	shalt  }
0x56: {  	_ =	shalt  }
0x57: {  	_ =	shalt  }
0x58: {  	_ =	shalt  }
0x59: {  	_ =	shalt  }
0x5a: {  	_ =	shalt  }
0x5b: {  	_ =	shalt  }
0x5c: {  	_ =	shalt  }
0x5d: {  	_ =	shalt  }
0x5e: {  	_ =	shalt  }
0x5f: {  	_ =	shalt  }
0x60: {  	_ =	shalt  }
0x61: {  	_ =	shalt  }
0x62: {  	_ =	shalt  }
0x63: {  	_ =	shalt  }
0x64: {  	_ =	shalt  }
0x65: {  	_ =	shalt  }
0x66: {  	_ =	shalt  }
0x67: {  	_ =	shalt  }
0x68: {  	_ =	shalt  }
0x69: {  	_ =	shalt  }
0x6a: {  	_ =	shalt  }
0x6b: {  	_ =	shalt  }
0x6c: {  	_ =	shalt  }
0x6d: {  	_ =	shalt  }
0x6e: {  	_ =	shalt  }
0x6f: {  	_ =	shalt  }
0x70: {  	_ =	shalt  }
0x71: {  	_ =	shalt  }
0x72: {  	_ =	shalt  }
0x73: {  	_ =	shalt  }
0x74: {  	_ =	shalt  }
0x75: {  	_ =	shalt  }
0x76: {  	_ =	shalt  }
0x77: {  	_ =	shalt  }
0x78: {  	_ =	shalt  }
0x79: {  	_ =	shalt  }
0x7a: {  	_ =	shalt  }
0x7b: {  	_ =	shalt  }
0x7c: {  	_ =	shalt  }
0x7d: {  	_ =	shalt  }
0x7e: {  	_ =	shalt  }
0x7f: {  	_ =	shalt  }
0x80: {  	_ =	shalt  }
0x81: {  	_ =	shalt  }
0x82: {  	_ =	shalt  }
0x83: {  	_ =	shalt  }
0x84: {  	_ =	shalt  }
0x85: {  	_ =	shalt  }
0x86: {  	_ =	shalt  }
0x87: {  	_ =	shalt  }
.Lfunc_end0:
.L_simem_size_0:
called_computation_lowered:
.L_overlay_start_0:
0x88: {  	s2 =	sld [smem:$0x3FD9]  }
0x89: {  	s3 =	sld [smem:$0x3FFE];
	_ =	sdelay $0x1  }
0x8a: {  	s1 =	srdreg.scid  }
0x8b: {  	s0 =	sand.u32 $0x1, s1  }
0x8c: {  	s16 =	sshll.u32 s0, $0xA;
	s2 =	sadd.s32 s3, s2  }
0x8d: {  	s2 =	sadd.s32 s2, s16  }
0x8e: {  	[smem:$0x3FC6] =	sst s2  }
0x8f: {  	_ = 	snop  }
0x90: {  	(tm) =	ssettm $0x1  }
0x91: {  	s17 =	sld [smem:$0x3FFB];
	_ =	sdelay $0x3  }
0x92: {  	_ =	strace s17  }
0x93: {  	s2 =	sld [smem:$0x3FFC];
	_ =	sdelay $0x3  }
0x94: {  	_ =	strace s2  }
0x95: {  	s2 =	sld [smem:$0x3FFD];
	_ =	sdelay $0x3  }
0x96: {  	_ =	strace s2  }
0x97: {  	_ =	strace $0x8FFFFFFF  }
0x98: {  	s18 =	sld [smem:$0x3FDB];
	_ =	sdelay $0x1  }
0x99: {  	s19 =	simm.s32 $_scs_section_size  }
0x9a: {  	s4 =	simm.s32 $_size__tile_overlayer_lowered;
	s5 =	simm.s32 $_tile_overlayer_lowered  }
0x9b: {  	s22 =	simm.s32 $0x1BFF;
	s21 =	sshll.u32 s5, $0x1;
	s2 =	sadd.s32 s19, s18  }
0x9c: {  	s6 =	simm.s32 $0x0;
	s20 =	sshll.u32 s4, $0x1;
	s4 =	sadd.s32 s21, s2  }
0x9d: {  	[timem:s6], [sflag:s22] =	dma.local [hbm:s4], s20  }
0x9e: {  	_ =	swait.ge [sflag:s22], s20  }
0x9f: {  	s3 =	ssub.s32 $0x0, s20;
	[sflag:s22] =	ssyncset.done $0x0  }
0xa0: {  	[sflag:s22] =	ssyncadd.s32 s3;
	_ =	sdelay $0x1  }
0xa1: {  	s23 =	simm.s32 $0x1B8B  }
0xa2: {  	_ =	swait.ge [sflag:s23], $0x1  }
0xa3: {  	[sflag:s23] =	ssyncset.done $0x0  }
0xa4: {  	s25 =	simm.s32 $0x1B8E;
	s24 =	sld [smem:$0x3FFE];
	[sflag:s23] =	ssyncadd.s32 $0xFFFFFFFF  }
0xa5: {  	s26 =	simm.s32 $execute0_lowered;
	[smem:$0x3FD2] =	sst s25  }
0xa6: {  	s4 =	sshll.u32 s26, $0x1;
	_ =	strace $0x80000046;
	[dreg:$0x1] =	wrdreg $0xFFFFFFFF  }
0xa7: {  	s28 =	simm.s32 $_size_execute0_lowered;
	s2 =	sadd.s32 s2, s4;
	[dreg:$0x0] =	wrdreg $0x0  }
0xa8: {  	s4 =	sshll.u32 s28, $0x1;
	[dreg:$0x2] =	wrdreg s2  }
0xa9: {  	[dreg:$0x3] =	wrdreg s4  }
0xaa: {  	[dreg:$0x4] =	wrdreg $0xC0  }
0xab: {  	_ =	task [dreg:s6], $0x5FFFF  }
0xac: {  	[dreg:$0x1] =	wrdreg $0xFFFFFFFF  }
0xad: {  	[dreg:$0x0] =	wrdreg $0x60  }
0xae: {  	[dreg:$0x2] =	wrdreg s24  }
0xaf: {  	[dreg:$0x3] =	wrdreg $0x9  }
0xb0: {  	_ =	task.clear_ibuf [dreg:s6], $0x4FFFF;
	_ =	strace $0x90000046  }
0xb1: {  	s29 =	simm.s32 $0x9;
	_ =	strace $0x80000048  }
0xb2: {  	_ =	swait.ge [sflag:s29], $0x1  }
0xb3: {  	[sflag:s29] =	ssyncadd.s32 $0xFFFFFFFF  }
0xb4: {  	_ =	strace $0x90000048  }
0xb5: {  	_ =	sfence  }
0xb6: {  	s30 =	sld [smem:$0x0];
	_ =	sdelay $0x2  }
0xb7: {  	s31 =	sshll.u32 s1, $0xD;
	s1 =	sshrl.u32 s1, $0x2  }
0xb8: {  	s3 =	sand.u32 $0x4000, s31;
	s1 =	sadd.s32 s1, s30  }
0xb9: {  	s0 =	sor.u32 s3, s0;
	s1 =	sshll.u32 s1, $0x11  }
0xba: {  	s0 =	sor.u32 s1, s0  }
0xbb: {  	s0 =	sadd.s32 $0x8F2B, s0  }
0xbc: {  	[sflag:s0] =	ssyncadd.remote.s32 $0x1  }
0xbd: {  	_ =	sfence.sel $0xFFFF  }
0xbe: {  	[dreg:$0x0] =	wrdreg $0xFFFFFFFF;
	(pc) =	sbr.abs _section_cstart, $3  }
0xbf: {  	[dreg:$0x1] =	wrdreg $0xFFFFFFFF  }
0xc0: {  	_ =	task.clear_ibuf [dreg:s6], $0x2FFFF;
	_ =	strace $0x9FFFFFFF  }
0xc1: {  	(tm) =	ssettm $0x7FFFFFFF  }
tec
execute0_lowered:
.L_overlay_start_1:
0x0: {  	(tag) =	ssettag $0x1  }
0x1: {  	s5 =	rddreg [dreg:$0x0]  }
0x2: {  	s0 =	rddreg [dreg:$0x1];
	s2 =	simm.s32 $0x0;
	s3 =	srdreg.scid  }
0x3: {  	s1 =	stileid.u32;
	s12 =	simm.s32 $0x100;
	s13 =	simm.s32 $0x1  }
0x4: {  	s14 =	simm.s32 $0x0;
	[smem:$0x7FF] =	sst s2;
	s7 =	smul.u32 $0xC000, s1  }
0x5: {  	s6 =	sand.u32 $0x1, s3;
	s3 =	sadd.s32 $0x258600, s5;
	s10 =	smul.u32 $0xC800, s1  }
0x6: {  	s4 =	sadd.s32 $0x600, s5;
	s11 =	sshll.u32 s1, $0xA;
	s30 =	smul.u32 $0x6000, s6  }
0x7: {  	_ =	strace $0x80000047;
	s8 =	ssub.s32 $0x2, s6;
	s31 =	smul.u32 $0x6400, s6  }
0x8: {  	s6 =	sshll.u32 s6, $0x9;
	s9 =	sshrl.u32 s8, $0x1;
	s7 =	sadd.s32 s7, s5  }
0x9: {  	s6 =	sor.u32 s6, s11;
	s11 =	simm.s32 $0x80;
	s8 =	ssub.s32 s8, s9  }
0xa: {  	s9 =	sadd.s32 s30, s7;
	s7 =	sadd.s32 s31, s10;
	s10 =	simm.s32 $0x30  }
0xb: {  	s5 =	smax.u32 s8, $0x1;
	s8 =	sadd.s32 $0x4600, s9;
	s9 =	simm.s32 $0x2  }
.LBB2_1:
0xc: {  	s15 =	sadd.s32 $0x0, s6;
	s16 =	sand.u32 $0x70, s2  }
0xd: {  	s15 =	sand.u32 $0x3F80, s15;
	s16 =	sadd.s32 s4, s16  }
0xe: {  	s15 =	sadd.s32 s15, s16  }
0xf: {  	[tilespmem:s2], [sflag:$0x2] =	stream.linear.gather [hbm4b:s15+s2], $0x80, $0x38;
	[tilespmem:$0x1900] =	vst v63  }
0x10: {  	_ =	swait.ge [sflag:s9], $0x80  }
0x11: {  	[sflag:s9] =	ssyncset.done $0x0  }
0x12: {  	[sflag:s9] =	ssyncadd.s32 $0xFFFFFF80  }
0x13: {  	v0 =	vld [tilespmem:$0x20]  }
0x14: {  	v1 =	vld [tilespmem:$0x0]  }
0x15: {  	v2 =	vld [tilespmem:$0x10];
	_ =	sdelay $0x2  }
0x16: {  	v0 =	vadd.s32 s7, v0  }
0x17: {  	v1 =	vadd.s32 s7, v1;
	[tilespmem:$0xA0] =	vst v0  }
0x18: {  	v63 =	vadd.s32 s7, v2;
	[tilespmem:$0x80] =	vst v1  }
0x19: {  	[tilespmem:$0x90] =	vst v63  }
0x1a: {  	[tilespmem:s12], [sflag:$0x1] =	stream.indirect.gather [hbm4b:s3+s10], $0x80, s11, s10, $0xb8;
	[tilespmem:$0x1900] =	vst v63  }
0x1b: {  	_ =	swait.ge [sflag:s13], $0x1800  }
0x1c: {  	s17 =	simm.s32 $0x10;
	s18 =	simm.s32 $0x20;
	[sflag:s13] =	ssyncset.done $0x0  }
0x1d: {  	s16 =	sadd.s32 $0x320, s7;
	s15 =	sadd.s32 $0x300, s8;
	[sflag:s13] =	ssyncadd.s32 $0xFFFFE800  }
0x1e: {  	[hbm4b:s8+s2] =	stream.linear.scatter [tilespmem:s12], [sflag:$0x2], $0x1800, $0x38;
	[tilespmem:$0x1900] =	vst v63  }
.LBB2_2:
0x1f: {  	s19 =	sadd.s32 s17, s6;
	s20 =	sand.u32 $0x70, s17  }
0x20: {  	_ =	swait.ge [sflag:s9], $0x1800;
	s17 =	smov.u32 s18;
	s21 =	smov.u32 s15  }
0x21: {  	s19 =	sand.u32 $0x3F80, s19;
	s20 =	sadd.s32 s4, s20;
	[sflag:s9] =	ssyncset.done $0x0  }
0x22: {  	s22 =	sadd.s32 $0x10, s18;
	s19 =	sadd.s32 s19, s20;
	[sflag:s9] =	ssyncadd.s32 $0xFFFFE800  }
0x23: {  	[tilespmem:s2], [sflag:$0x2] =	stream.linear.gather [hbm4b:s19+s2], $0x80, $0x38;
	[tilespmem:$0x1900] =	vst v63  }
0x24: {  	p0 =	sne.s32 s18, $0x1F0;
	_ =	swait.ge [sflag:s9], $0x80  }
0x25: {  	[sflag:s9] =	ssyncset.done $0x0  }
0x26: {  	[sflag:s9] =	ssyncadd.s32 $0xFFFFFF80  }
0x27: {  	v0 =	vld [tilespmem:$0x20]  }
0x28: {  	v1 =	vld [tilespmem:$0x0]  }
0x29: {  	v2 =	vld [tilespmem:$0x10];
	_ =	sdelay $0x2  }
0x2a: {  	v0 =	vadd.s32 s16, v0  }
0x2b: {  	v1 =	vadd.s32 s16, v1;
	[tilespmem:$0xA0] =	vst v0  }
0x2c: {  	[tilespmem:$0x80] =	vst v1;
	v0 =	vadd.s32 s16, v2  }
0x2d: {  	[tilespmem:$0x90] =	vst v0  }
0x2e: {  	[tilespmem:s12], [sflag:$0x1] =	stream.indirect.gather [hbm4b:s3+s10], $0x80, s11, s10, $0xb8;
	[tilespmem:$0x1900] =	vst v63  }
.Ltmp0:
0x2f: {  	_ = 	snop;
	(pc) =	sbr.rel @p0 .LBB2_2-.Ltmp0, $4  }
0x30: {  	_ =	swait.ge [sflag:s13], $0x1800  }
0x31: {  	s15 =	sadd.s32 $0x300, s15;
	[sflag:s13] =	ssyncset.done $0x0  }
0x32: {  	s18 =	smov.u32 s22;
	s16 =	sadd.s32 $0x320, s16;
	[sflag:s13] =	ssyncadd.s32 $0xFFFFE800  }
0x33: {  	[hbm4b:s21+s2] =	stream.linear.scatter [tilespmem:s12], [sflag:$0x2], $0x1800, $0x38;
	[tilespmem:$0x1900] =	vst v63  }
0x34: {  	s18 =	sadd.s32 s17, s6;
	s31 =	sand.u32 $0x70, s17;
	_ =	swait.ge [sflag:s9], $0x1800  }
0x35: {  	s18 =	sand.u32 $0x3F80, s18;
	s17 =	sadd.s32 s4, s31;
	[sflag:s9] =	ssyncset.done $0x0  }
0x36: {  	s17 =	sadd.s32 s18, s17;
	[sflag:s9] =	ssyncadd.s32 $0xFFFFE800  }
0x37: {  	[tilespmem:s2], [sflag:$0x2] =	stream.linear.gather [hbm4b:s17+s2], $0x80, $0x38;
	[tilespmem:$0x1900] =	vst v63  }
0x38: {  	_ =	swait.ge [sflag:s9], $0x80  }
0x39: {  	[sflag:s9] =	ssyncset.done $0x0  }
0x3a: {  	[sflag:s9] =	ssyncadd.s32 $0xFFFFFF80  }
0x3b: {  	v0 =	vld [tilespmem:$0x20]  }
0x3c: {  	v1 =	vld [tilespmem:$0x0]  }
0x3d: {  	v2 =	vld [tilespmem:$0x10];
	_ =	sdelay $0x2  }
0x3e: {  	v0 =	vadd.s32 s16, v0  }
0x3f: {  	v1 =	vadd.s32 s16, v1;
	[tilespmem:$0xA0] =	vst v0  }
0x40: {  	v63 =	vadd.s32 s16, v2;
	[tilespmem:$0x80] =	vst v1  }
0x41: {  	[tilespmem:$0x90] =	vst v63  }
0x42: {  	[tilespmem:s12], [sflag:$0x1] =	stream.indirect.gather [hbm4b:s3+s10], $0x80, s11, s10, $0xb8;
	[tilespmem:$0x1900] =	vst v63  }
0x43: {  	s14 =	sadd.s32 $0x1, s14;
	_ =	swait.ge [sflag:s13], $0x1800  }
0x44: {  	p0 =	sne.s32 s14, s5;
	[sflag:s13] =	ssyncset.done $0x0  }
.Ltmp1:
0x45: {  	[sflag:s13] =	ssyncadd.s32 $0xFFFFE800;
	(pc) =	sbr.rel @p0 .LBB2_1-.Ltmp1, $4  }
0x46: {  	[hbm4b:s15+s2] =	stream.linear.scatter [tilespmem:s12], [sflag:$0x2], $0x1800, $0x38;
	[tilespmem:$0x1900] =	vst v63  }
0x47: {  	_ =	swait.ge [sflag:s9], $0x1800  }
0x48: {  	[sflag:s9] =	ssyncset.done $0x0  }
0x49: {  	[sflag:s9] =	ssyncadd.s32 $0xFFFFE800  }
0x4a: {  	_ =	sfence.sel $0x180000  }
0x4b: {  	[bflag:$0x0] =	sbarrier.arrive $0xFFFF  }
0x4c: {  	p0 =	sne.s32 s1, $0x0;
	_ =	strace $0x90000047  }
0x4d: {  	s0 =	sadd.s32 @!p0 $0x100000, s0;
	[bflag:$0x2] =	sbarrier.arrive $0xFFFF  }
0x4e: {  	[sflag:s0] =	ssyncadd.tile.s32 @!p0 $0x1;
	_ =	shalt  }
.Lfunc_end2:
_tile_overlayer_lowered:
.L_overlay_start_2:
0x4f: {  	(tag) =	ssettag $0x2  }
0x50: {  	s0 =	rddreg [dreg:$0x0];
	s2 =	stileid.u32  }
0x51: {  	s1 =	rddreg [dreg:$0x1];
	p0 =	sne.s32 s2, $0x0  }
0x52: {  	s3 =	rddreg [dreg:$0x2];
	[bflag:$0x3] =	sbarrier.arrive $0xFFFF;
	s2 =	simm.s32 @!p0 $0x1C02  }
0x53: {  	[timem:s3], [sflag:s2] =	dma.local @!p0 [hbm:s0], s1  }
0x54: {  	s0 =	simm.s32 @!p0 $0x2  }
0x55: {  	_ =	swait.ge @!p0 [sflag:s0], s1  }
0x56: {  	s1 =	ssub.s32 @!p0 $0x0, s1;
	[sflag:s0] =	ssyncset.done @!p0 $0x0  }
0x57: {  	[sflag:s0] =	ssyncadd.s32 @!p0 s1  }
0x58: {  	[bflag:$0x3] =	sbarrier.arrive $0xFFFF  }
0x59: {  	_ =	shalt  }

</sc_bundles>
